<compile_context>
chip_gen: v7x
topology: tpu7x:2x2x1
jax: 0.10.2.dev20260603
libtpu: 0.0.44.dev20260713+nightly
codegen_flags: <defaults>
</compile_context>

<pallas_src>
import functools

import jax
import jax.numpy as jnp
from jax import lax
from jax.experimental import pallas as pl
from jax.experimental.pallas import tpu as pltpu
from jax.experimental.pallas import tpu_sc as plsc

N = 320000
D = 128
S = 10000
S_PAD = 10496
EPS = 1e-5

NC = 2
NS = 16
NW = NC * NS
ROWS_W = N // NW
SUB = 80
NSUB = 5
CHUNK = SUB * NSUB
NCHUNK = ROWS_W // CHUNK

R = 4000
NB = N // R
W = 256


def _sc_gather(h_hbm, ids_hbm, g_hbm, idx_buf, rows_buf, sem):
    c = lax.axis_index("c")
    s = lax.axis_index("s")
    wid = c * NS + s

    def chunk_body(k, carry):
        pltpu.sync_copy(ids_hbm.at[wid, k], idx_buf)
        copies = [
            pltpu.async_copy(h_hbm.at[idx_buf.at[j]],
                             rows_buf.at[pl.ds(j * SUB, SUB), :], sem)
            for j in range(NSUB)
        ]
        for cp in copies:
            cp.wait()
        row0 = wid * ROWS_W + k * CHUNK
        pltpu.sync_copy(rows_buf, g_hbm.at[pl.ds(row0, CHUNK), :])
        return carry

    lax.fori_loop(0, NCHUNK, chunk_body, 0)


def _sc_gather_call(h, ids4d):
    fn = functools.partial(
        pl.kernel,
        out_type=jax.ShapeDtypeStruct((N, D), jnp.float32),
        mesh=plsc.VectorSubcoreMesh(core_axis_name="c", subcore_axis_name="s",
                                    num_cores=NC, num_subcores=NS),
        scratch_types=[
            pltpu.VMEM((NSUB, SUB), jnp.int32),
            pltpu.VMEM((CHUNK, D), jnp.float32),
            pltpu.SemaphoreType.DMA,
        ],
    )(_sc_gather)
    return fn(h, ids4d)


def _seg_mlp_kernel(ids_smem_ref, idsr_ref, x_ref, w1_ref, b1_ref, w2_ref,
                    b2_ref, h_ref, acc_ref, cacc_ref):
    i = pl.program_id(0)

    @pl.when(i == 0)
    def _init():
        acc_ref[...] = jnp.zeros((S_PAD, D), jnp.float32)
        cacc_ref[...] = jnp.zeros((S_PAD, D), jnp.float32)

    @pl.when(i < NB)
    def _accum():
        base = ids_smem_ref[0, 0, 0]
        last = ids_smem_ref[0, 0, R - 1]
        off0 = (base // 8) * 8
        nwin = (last - off0) // W + 1

        idsr = idsr_ref[0]
        iota = lax.broadcasted_iota(jnp.int32, (W, R), 0)
        xbf = x_ref[...].astype(jnp.bfloat16)
        ones = jnp.ones((R, D), jnp.bfloat16)
        dims = (((1,), (0,)), ((), ()))

        def accum_win(off):
            oht = (iota == idsr - off).astype(jnp.bfloat16)
            st = jax.lax.dot_general(oht, xbf, dims,
                                     preferred_element_type=jnp.float32)
            ct = jax.lax.dot_general(oht, ones, dims,
                                     preferred_element_type=jnp.float32)
            acc_ref[pl.ds(off, W), :] += st
            cacc_ref[pl.ds(off, W), :] += ct

        accum_win(off0)

        def win_body(k, carry):
            accum_win(off0 + k * W)
            return carry

        @pl.when(nwin > 1)
        def _extra():
            lax.fori_loop(1, nwin, win_body, 0)

    @pl.when(i == NB)
    def _mlp():
        mean = acc_ref[...] / jnp.maximum(cacc_ref[...], 1.0)
        h = jnp.dot(mean, w1_ref[...], preferred_element_type=jnp.float32)
        h = jnp.maximum(h + b1_ref[...], 0.0)
        h = jnp.dot(h, w2_ref[...], preferred_element_type=jnp.float32)
        h_ref[...] = h + b2_ref[...]


def _pass2_kernel(x_ref, g_ref, gamma_ref, beta_ref, out_ref):
    o = x_ref[...] + g_ref[...]
    dims = (((1,), (0,)), ((), ()))
    jd = jnp.full((D, D), 1.0 / D, dtype=jnp.bfloat16)
    mu = jax.lax.dot_general(o.astype(jnp.bfloat16), jd, dims,
                             preferred_element_type=jnp.float32)
    d = o - mu
    msq = jax.lax.dot_general((d * d).astype(jnp.bfloat16), jd, dims,
                              preferred_element_type=jnp.float32)
    rstd = lax.rsqrt(msq + EPS)
    out_ref[...] = d * rstd * gamma_ref[...] + beta_ref[...]


def kernel(x, subnet_id, W1, b1, W2, b2, gamma, beta):
    ids = subnet_id.astype(jnp.int32)
    ids4d = ids.reshape(NW, NCHUNK, NSUB, SUB)
    ids_blk = ids.reshape(NB, 1, R)

    clamp = lambda i: (jnp.minimum(i, NB - 1), 0, 0)
    h = pl.pallas_call(
        _seg_mlp_kernel,
        grid=(NB + 1,),
        in_specs=[
            pl.BlockSpec((1, 1, R), clamp, memory_space=pltpu.SMEM),
            pl.BlockSpec((1, 1, R), clamp),
            pl.BlockSpec((R, D), lambda i: (jnp.minimum(i, NB - 1), 0)),
            pl.BlockSpec((D, D), lambda i: (0, 0)),
            pl.BlockSpec((1, D), lambda i: (0, 0)),
            pl.BlockSpec((D, D), lambda i: (0, 0)),
            pl.BlockSpec((1, D), lambda i: (0, 0)),
        ],
        out_specs=pl.BlockSpec((S_PAD, D), lambda i: (0, 0)),
        out_shape=jax.ShapeDtypeStruct((S_PAD, D), jnp.float32),
        scratch_shapes=[
            pltpu.VMEM((S_PAD, D), jnp.float32),
            pltpu.VMEM((S_PAD, D), jnp.float32),
        ],
    )(ids_blk, ids_blk, x, W1, b1.reshape(1, D), W2, b2.reshape(1, D))

    g = _sc_gather_call(h, ids4d)

    out = pl.pallas_call(
        _pass2_kernel,
        grid=(NB,),
        in_specs=[
            pl.BlockSpec((R, D), lambda i: (i, 0)),
            pl.BlockSpec((R, D), lambda i: (i, 0)),
            pl.BlockSpec((1, D), lambda i: (0, 0)),
            pl.BlockSpec((1, D), lambda i: (0, 0)),
        ],
        out_specs=pl.BlockSpec((R, D), lambda i: (i, 0)),
        out_shape=jax.ShapeDtypeStruct((N, D), jnp.float32),
    )(x, g, gamma.reshape(1, D), beta.reshape(1, D))
    return out

# --- scband reference (transcript-rebuilt; emitter-appended) ---
"""Pipeline reference for scband-subnet-interaction-block-33732673143451 (READ-ONLY COPY).

The authoritative reference and input builder live on the scoring server;
editing this copy changes nothing except your own understanding.
"""

import jax, jax.numpy as jnp
import numpy as np

N = 320000
D = 128
S = 10000
EPS = 1e-5


def setup_inputs(seed: int = 0) -> dict:
    key = jax.random.key(seed)
    ks = jax.random.split(key, 9)
    x = jax.random.normal(ks[0], (N, D), dtype=jnp.float32)
    subnet_id = jnp.sort(jax.random.randint(ks[1], (N,), 0, S, dtype=jnp.int64))
    W1 = jax.random.normal(ks[2], (D, D), dtype=jnp.float32) * (1.0 / np.sqrt(D))
    b1 = jnp.zeros((D,), dtype=jnp.float32)
    W2 = jax.random.normal(ks[3], (D, D), dtype=jnp.float32) * (1.0 / np.sqrt(D))
    b2 = jnp.zeros((D,), dtype=jnp.float32)
    gamma = jnp.ones((D,), dtype=jnp.float32)
    beta = jnp.zeros((D,), dtype=jnp.float32)
    return {"x": x, "subnet_id": subnet_id, "W1": W1, "b1": b1, "W2": W2, "b2": b2, "gamma": gamma, "beta": beta}


def reference(x, subnet_id, W1, b1, W2, b2, gamma, beta):
    # scatter(x, subnet_id, dim=0, reduce='mean')
    sums = jax.ops.segment_sum(x, subnet_id, num_segments=S)
    counts = jax.ops.segment_sum(jnp.ones((N,), dtype=x.dtype), subnet_id, num_segments=S)
    subnet_features = sums / jnp.clip(counts, 1.0, None)[:, None]
    # subnet_mlp: Linear -> ReLU -> Linear -> Dropout (eval: identity)
    h = jnp.maximum(subnet_features @ W1 + b1, 0.0)
    h = h @ W2 + b2
    # residual gather
    out = x + h[subnet_id]
    # LayerNorm
    mu = jnp.mean(out, axis=-1, keepdims=True)
    var = jnp.mean((out - mu) ** 2, axis=-1, keepdims=True)
    out = (out - mu) / jnp.sqrt(var + EPS) * gamma + beta
    return out

if __name__ == "__main__":
    import jax
    _d = setup_inputs()
    print(jax.jit(kernel)(*tuple(_d.values())))

</pallas_src>

<mosaic_0001>
#map = affine_map<(d0, d1) -> (0, 0)>
#map1 = affine_map<(d0, d1) -> (0, 0, 0, 0)>
module attributes {stable_mosaic.version = 14 : i64} {
  func.func @_sc_gather(%arg0: i32, %arg1: i32, %arg2: memref<10496x128xf32, #tpu.memory_space<hbm>>, %arg3: memref<32x25x5x80xi32, #tpu.memory_space<hbm>>, %arg4: memref<320000x128xf32, #tpu.memory_space<hbm>>, %arg5: memref<5x80xi32, #tpu.memory_space<vmem>>, %arg6: memref<400x128xf32, #tpu.memory_space<vmem>>, %arg7: memref<!tpu.dma_semaphore, #tpu.memory_space<semaphore_mem>>) attributes {dimension_semantics = [#tpu.dimension_semantics<core_parallel>, #tpu.dimension_semantics<subcore_parallel>], iteration_bounds = array<i64: 2, 16>, scalar_prefetch = 0 : i64, scratch_operands = 3 : i64, tpu.core_type = #tpu.core_type<sc_vector_subcore>, window_params = [{transform_indices = #map}, {transform_indices = #map1}, {transform_indices = #map}]} {
    %mul3A = arith.constant 16 : i32
    %mul3A_0 = arith.muli %arg0, %mul3A : i32
    %add3A = arith.addi %mul3A_0, %arg1 : i32
    %scan3A = arith.constant 0 : i32
    %scan3A_1 = arith.constant 0 : i32
    %scan3A_2 = arith.constant 25 : i32
    %scan3A_3 = arith.addi %scan3A_1, %scan3A_2 : i32
    %scan3A_4 = arith.constant 1 : i32
    scf.for %scan3A_6 = %scan3A_1 to %scan3A_3 step %scan3A_4  : i32 {
      "tpu.region"() ({
        %run_scoped3A = tpu.sem_alloc : memref<!tpu.dma_semaphore, #tpu.memory_space<semaphore_mem>>
        %dma_start3A_110 = arith.constant 0 : i32
        %dma_start3A_111 = arith.constant 0 : i32
        %dma_start3A_112 = tpu.memref_slice %arg3[%add3A, %scan3A_6, %dma_start3A_110, %dma_start3A_111] : memref<32x25x5x80xi32, #tpu.memory_space<hbm>> -> memref<1x1x5x80xi32, #tpu.memory_space<hbm>>
        %dma_start3A_113 = tpu.memref_squeeze %dma_start3A_112 : memref<1x1x5x80xi32, #tpu.memory_space<hbm>> -> memref<5x80xi32, #tpu.memory_space<hbm>>
        %dma_start3A_114 = arith.constant 0 : i32
        %dma_start3A_115 = arith.constant 0 : i32
        %dma_start3A_116 = tpu.memref_slice %arg3[%add3A, %scan3A_6, %dma_start3A_114, %dma_start3A_115] : memref<32x25x5x80xi32, #tpu.memory_space<hbm>> -> memref<1x1x5x80xi32, #tpu.memory_space<hbm>>
        %dma_start3A_117 = tpu.memref_squeeze %dma_start3A_116 : memref<1x1x5x80xi32, #tpu.memory_space<hbm>> -> memref<5x80xi32, #tpu.memory_space<hbm>>
        tpu.enqueue_dma source(%dma_start3A_117 : memref<5x80xi32, #tpu.memory_space<hbm>>) target(%arg5 : memref<5x80xi32, #tpu.memory_space<vmem>>) target_semaphore(%run_scoped3A : memref<!tpu.dma_semaphore, #tpu.memory_space<semaphore_mem>>)
        %dma_wait3A_118 = arith.constant 0 : i32
        %dma_wait3A_119 = arith.constant 0 : i32
        %dma_wait3A_120 = tpu.memref_slice %arg3[%add3A, %scan3A_6, %dma_wait3A_118, %dma_wait3A_119] : memref<32x25x5x80xi32, #tpu.memory_space<hbm>> -> memref<1x1x5x80xi32, #tpu.memory_space<hbm>>
        %dma_wait3A_121 = tpu.memref_squeeze %dma_wait3A_120 : memref<1x1x5x80xi32, #tpu.memory_space<hbm>> -> memref<5x80xi32, #tpu.memory_space<hbm>>
        %dma_wait3A_122 = arith.constant 0 : i32
        %dma_wait3A_123 = arith.constant 0 : i32
        %dma_wait3A_124 = tpu.memref_slice %arg3[%add3A, %scan3A_6, %dma_wait3A_122, %dma_wait3A_123] : memref<32x25x5x80xi32, #tpu.memory_space<hbm>> -> memref<1x1x5x80xi32, #tpu.memory_space<hbm>>
        %dma_wait3A_125 = tpu.memref_squeeze %dma_wait3A_124 : memref<1x1x5x80xi32, #tpu.memory_space<hbm>> -> memref<5x80xi32, #tpu.memory_space<hbm>>
        tpu.wait_dma2 semaphore(%run_scoped3A : memref<!tpu.dma_semaphore, #tpu.memory_space<semaphore_mem>>) src(%dma_wait3A_125 : memref<5x80xi32, #tpu.memory_space<hbm>>) dst(%arg5 : memref<5x80xi32, #tpu.memory_space<vmem>>)
        tpu.yield
      }) : () -> ()
      %dma_start3A = arith.constant 0 : i32
      %dma_start3A_7 = arith.constant 0 : i32
      %dma_start3A_8 = arith.constant 0 : i32
      %dma_start3A_9 = tpu.memref_slice %arg6[%dma_start3A_7, %dma_start3A_8] : memref<400x128xf32, #tpu.memory_space<vmem>> -> memref<80x128xf32, #tpu.memory_space<vmem>>
      %dma_start3A_10 = arith.constant 0 : i32
      %dma_start3A_11 = tpu.memref_slice %arg5[%dma_start3A, %dma_start3A_10] : memref<5x80xi32, #tpu.memory_space<vmem>> -> memref<1x80xi32, #tpu.memory_space<vmem>>
      %dma_start3A_12 = tpu.memref_squeeze %dma_start3A_11 : memref<1x80xi32, #tpu.memory_space<vmem>> -> memref<80xi32, #tpu.memory_space<vmem>>
      %dma_start3A_13 = arith.constant 0 : i32
      %dma_start3A_14 = arith.constant 0 : i32
      %dma_start3A_15 = tpu.memref_slice %arg2[%dma_start3A_13, %dma_start3A_14] : memref<10496x128xf32, #tpu.memory_space<hbm>> -> memref<10496x128xf32, #tpu.memory_space<hbm>>
      tpu.enqueue_indirect_dma source(%dma_start3A_15 : memref<10496x128xf32, #tpu.memory_space<hbm>>) target(%dma_start3A_9 : memref<80x128xf32, #tpu.memory_space<vmem>>) offsets(%dma_start3A_12 : memref<80xi32, #tpu.memory_space<vmem>>) semaphore(%arg7 : memref<!tpu.dma_semaphore, #tpu.memory_space<semaphore_mem>>)
      %dma_start3A_16 = arith.constant 1 : i32
      %dma_start3A_17 = arith.constant 80 : i32
      %dma_start3A_18 = arith.constant 0 : i32
      %dma_start3A_19 = tpu.memref_slice %arg6[%dma_start3A_17, %dma_start3A_18] : memref<400x128xf32, #tpu.memory_space<vmem>> -> memref<80x128xf32, #tpu.memory_space<vmem>>
      %dma_start3A_20 = arith.constant 0 : i32
      %dma_start3A_21 = tpu.memref_slice %arg5[%dma_start3A_16, %dma_start3A_20] : memref<5x80xi32, #tpu.memory_space<vmem>> -> memref<1x80xi32, #tpu.memory_space<vmem>>
      %dma_start3A_22 = tpu.memref_squeeze %dma_start3A_21 : memref<1x80xi32, #tpu.memory_space<vmem>> -> memref<80xi32, #tpu.memory_space<vmem>>
      %dma_start3A_23 = arith.constant 0 : i32
      %dma_start3A_24 = arith.constant 0 : i32
      %dma_start3A_25 = tpu.memref_slice %arg2[%dma_start3A_23, %dma_start3A_24] : memref<10496x128xf32, #tpu.memory_space<hbm>> -> memref<10496x128xf32, #tpu.memory_space<hbm>>
      tpu.enqueue_indirect_dma source(%dma_start3A_25 : memref<10496x128xf32, #tpu.memory_space<hbm>>) target(%dma_start3A_19 : memref<80x128xf32, #tpu.memory_space<vmem>>) offsets(%dma_start3A_22 : memref<80xi32, #tpu.memory_space<vmem>>) semaphore(%arg7 : memref<!tpu.dma_semaphore, #tpu.memory_space<semaphore_mem>>)
      %dma_start3A_26 = arith.constant 2 : i32
      %dma_start3A_27 = arith.constant 160 : i32
      %dma_start3A_28 = arith.constant 0 : i32
      %dma_start3A_29 = tpu.memref_slice %arg6[%dma_start3A_27, %dma_start3A_28] : memref<400x128xf32, #tpu.memory_space<vmem>> -> memref<80x128xf32, #tpu.memory_space<vmem>>
      %dma_start3A_30 = arith.constant 0 : i32
      %dma_start3A_31 = tpu.memref_slice %arg5[%dma_start3A_26, %dma_start3A_30] : memref<5x80xi32, #tpu.memory_space<vmem>> -> memref<1x80xi32, #tpu.memory_space<vmem>>
      %dma_start3A_32 = tpu.memref_squeeze %dma_start3A_31 : memref<1x80xi32, #tpu.memory_space<vmem>> -> memref<80xi32, #tpu.memory_space<vmem>>
      %dma_start3A_33 = arith.constant 0 : i32
      %dma_start3A_34 = arith.constant 0 : i32
      %dma_start3A_35 = tpu.memref_slice %arg2[%dma_start3A_33, %dma_start3A_34] : memref<10496x128xf32, #tpu.memory_space<hbm>> -> memref<10496x128xf32, #tpu.memory_space<hbm>>
      tpu.enqueue_indirect_dma source(%dma_start3A_35 : memref<10496x128xf32, #tpu.memory_space<hbm>>) target(%dma_start3A_29 : memref<80x128xf32, #tpu.memory_space<vmem>>) offsets(%dma_start3A_32 : memref<80xi32, #tpu.memory_space<vmem>>) semaphore(%arg7 : memref<!tpu.dma_semaphore, #tpu.memory_space<semaphore_mem>>)
      %dma_start3A_36 = arith.constant 3 : i32
      %dma_start3A_37 = arith.constant 240 : i32
      %dma_start3A_38 = arith.constant 0 : i32
      %dma_start3A_39 = tpu.memref_slice %arg6[%dma_start3A_37, %dma_start3A_38] : memref<400x128xf32, #tpu.memory_space<vmem>> -> memref<80x128xf32, #tpu.memory_space<vmem>>
      %dma_start3A_40 = arith.constant 0 : i32
      %dma_start3A_41 = tpu.memref_slice %arg5[%dma_start3A_36, %dma_start3A_40] : memref<5x80xi32, #tpu.memory_space<vmem>> -> memref<1x80xi32, #tpu.memory_space<vmem>>
      %dma_start3A_42 = tpu.memref_squeeze %dma_start3A_41 : memref<1x80xi32, #tpu.memory_space<vmem>> -> memref<80xi32, #tpu.memory_space<vmem>>
      %dma_start3A_43 = arith.constant 0 : i32
      %dma_start3A_44 = arith.constant 0 : i32
      %dma_start3A_45 = tpu.memref_slice %arg2[%dma_start3A_43, %dma_start3A_44] : memref<10496x128xf32, #tpu.memory_space<hbm>> -> memref<10496x128xf32, #tpu.memory_space<hbm>>
      tpu.enqueue_indirect_dma source(%dma_start3A_45 : memref<10496x128xf32, #tpu.memory_space<hbm>>) target(%dma_start3A_39 : memref<80x128xf32, #tpu.memory_space<vmem>>) offsets(%dma_start3A_42 : memref<80xi32, #tpu.memory_space<vmem>>) semaphore(%arg7 : memref<!tpu.dma_semaphore, #tpu.memory_space<semaphore_mem>>)
      %dma_start3A_46 = arith.constant 4 : i32
      %dma_start3A_47 = arith.constant 320 : i32
      %dma_start3A_48 = arith.constant 0 : i32
      %dma_start3A_49 = tpu.memref_slice %arg6[%dma_start3A_47, %dma_start3A_48] : memref<400x128xf32, #tpu.memory_space<vmem>> -> memref<80x128xf32, #tpu.memory_space<vmem>>
      %dma_start3A_50 = arith.constant 0 : i32
      %dma_start3A_51 = tpu.memref_slice %arg5[%dma_start3A_46, %dma_start3A_50] : memref<5x80xi32, #tpu.memory_space<vmem>> -> memref<1x80xi32, #tpu.memory_space<vmem>>
      %dma_start3A_52 = tpu.memref_squeeze %dma_start3A_51 : memref<1x80xi32, #tpu.memory_space<vmem>> -> memref<80xi32, #tpu.memory_space<vmem>>
      %dma_start3A_53 = arith.constant 0 : i32
      %dma_start3A_54 = arith.constant 0 : i32
      %dma_start3A_55 = tpu.memref_slice %arg2[%dma_start3A_53, %dma_start3A_54] : memref<10496x128xf32, #tpu.memory_space<hbm>> -> memref<10496x128xf32, #tpu.memory_space<hbm>>
      tpu.enqueue_indirect_dma source(%dma_start3A_55 : memref<10496x128xf32, #tpu.memory_space<hbm>>) target(%dma_start3A_49 : memref<80x128xf32, #tpu.memory_space<vmem>>) offsets(%dma_start3A_52 : memref<80xi32, #tpu.memory_space<vmem>>) semaphore(%arg7 : memref<!tpu.dma_semaphore, #tpu.memory_space<semaphore_mem>>)
      %dma_wait3A = arith.constant 0 : i32
      %dma_wait3A_56 = arith.constant 0 : i32
      %dma_wait3A_57 = arith.constant 0 : i32
      %dma_wait3A_58 = tpu.memref_slice %arg6[%dma_wait3A_56, %dma_wait3A_57] : memref<400x128xf32, #tpu.memory_space<vmem>> -> memref<80x128xf32, #tpu.memory_space<vmem>>
      %dma_wait3A_59 = arith.constant 0 : i32
      %dma_wait3A_60 = tpu.memref_slice %arg5[%dma_wait3A, %dma_wait3A_59] : memref<5x80xi32, #tpu.memory_space<vmem>> -> memref<1x80xi32, #tpu.memory_space<vmem>>
      %dma_wait3A_61 = tpu.memref_squeeze %dma_wait3A_60 : memref<1x80xi32, #tpu.memory_space<vmem>> -> memref<80xi32, #tpu.memory_space<vmem>>
      %dma_wait3A_62 = arith.constant 0 : i32
      %dma_wait3A_63 = arith.constant 0 : i32
      %dma_wait3A_64 = tpu.memref_slice %arg2[%dma_wait3A_62, %dma_wait3A_63] : memref<10496x128xf32, #tpu.memory_space<hbm>> -> memref<10496x128xf32, #tpu.memory_space<hbm>>
      tpu.wait_indirect_dma semaphore(%arg7 : memref<!tpu.dma_semaphore, #tpu.memory_space<semaphore_mem>>) src(%dma_wait3A_64 : memref<10496x128xf32, #tpu.memory_space<hbm>>) dst(%dma_wait3A_58 : memref<80x128xf32, #tpu.memory_space<vmem>>)
      %dma_wait3A_65 = arith.constant 1 : i32
      %dma_wait3A_66 = arith.constant 80 : i32
      %dma_wait3A_67 = arith.constant 0 : i32
      %dma_wait3A_68 = tpu.memref_slice %arg6[%dma_wait3A_66, %dma_wait3A_67] : memref<400x128xf32, #tpu.memory_space<vmem>> -> memref<80x128xf32, #tpu.memory_space<vmem>>
      %dma_wait3A_69 = arith.constant 0 : i32
      %dma_wait3A_70 = tpu.memref_slice %arg5[%dma_wait3A_65, %dma_wait3A_69] : memref<5x80xi32, #tpu.memory_space<vmem>> -> memref<1x80xi32, #tpu.memory_space<vmem>>
      %dma_wait3A_71 = tpu.memref_squeeze %dma_wait3A_70 : memref<1x80xi32, #tpu.memory_space<vmem>> -> memref<80xi32, #tpu.memory_space<vmem>>
      %dma_wait3A_72 = arith.constant 0 : i32
      %dma_wait3A_73 = arith.constant 0 : i32
      %dma_wait3A_74 = tpu.memref_slice %arg2[%dma_wait3A_72, %dma_wait3A_73] : memref<10496x128xf32, #tpu.memory_space<hbm>> -> memref<10496x128xf32, #tpu.memory_space<hbm>>
      tpu.wait_indirect_dma semaphore(%arg7 : memref<!tpu.dma_semaphore, #tpu.memory_space<semaphore_mem>>) src(%dma_wait3A_74 : memref<10496x128xf32, #tpu.memory_space<hbm>>) dst(%dma_wait3A_68 : memref<80x128xf32, #tpu.memory_space<vmem>>)
      %dma_wait3A_75 = arith.constant 2 : i32
      %dma_wait3A_76 = arith.constant 160 : i32
      %dma_wait3A_77 = arith.constant 0 : i32
      %dma_wait3A_78 = tpu.memref_slice %arg6[%dma_wait3A_76, %dma_wait3A_77] : memref<400x128xf32, #tpu.memory_space<vmem>> -> memref<80x128xf32, #tpu.memory_space<vmem>>
      %dma_wait3A_79 = arith.constant 0 : i32
      %dma_wait3A_80 = tpu.memref_slice %arg5[%dma_wait3A_75, %dma_wait3A_79] : memref<5x80xi32, #tpu.memory_space<vmem>> -> memref<1x80xi32, #tpu.memory_space<vmem>>
      %dma_wait3A_81 = tpu.memref_squeeze %dma_wait3A_80 : memref<1x80xi32, #tpu.memory_space<vmem>> -> memref<80xi32, #tpu.memory_space<vmem>>
      %dma_wait3A_82 = arith.constant 0 : i32
      %dma_wait3A_83 = arith.constant 0 : i32
      %dma_wait3A_84 = tpu.memref_slice %arg2[%dma_wait3A_82, %dma_wait3A_83] : memref<10496x128xf32, #tpu.memory_space<hbm>> -> memref<10496x128xf32, #tpu.memory_space<hbm>>
      tpu.wait_indirect_dma semaphore(%arg7 : memref<!tpu.dma_semaphore, #tpu.memory_space<semaphore_mem>>) src(%dma_wait3A_84 : memref<10496x128xf32, #tpu.memory_space<hbm>>) dst(%dma_wait3A_78 : memref<80x128xf32, #tpu.memory_space<vmem>>)
      %dma_wait3A_85 = arith.constant 3 : i32
      %dma_wait3A_86 = arith.constant 240 : i32
      %dma_wait3A_87 = arith.constant 0 : i32
      %dma_wait3A_88 = tpu.memref_slice %arg6[%dma_wait3A_86, %dma_wait3A_87] : memref<400x128xf32, #tpu.memory_space<vmem>> -> memref<80x128xf32, #tpu.memory_space<vmem>>
      %dma_wait3A_89 = arith.constant 0 : i32
      %dma_wait3A_90 = tpu.memref_slice %arg5[%dma_wait3A_85, %dma_wait3A_89] : memref<5x80xi32, #tpu.memory_space<vmem>> -> memref<1x80xi32, #tpu.memory_space<vmem>>
      %dma_wait3A_91 = tpu.memref_squeeze %dma_wait3A_90 : memref<1x80xi32, #tpu.memory_space<vmem>> -> memref<80xi32, #tpu.memory_space<vmem>>
      %dma_wait3A_92 = arith.constant 0 : i32
      %dma_wait3A_93 = arith.constant 0 : i32
      %dma_wait3A_94 = tpu.memref_slice %arg2[%dma_wait3A_92, %dma_wait3A_93] : memref<10496x128xf32, #tpu.memory_space<hbm>> -> memref<10496x128xf32, #tpu.memory_space<hbm>>
      tpu.wait_indirect_dma semaphore(%arg7 : memref<!tpu.dma_semaphore, #tpu.memory_space<semaphore_mem>>) src(%dma_wait3A_94 : memref<10496x128xf32, #tpu.memory_space<hbm>>) dst(%dma_wait3A_88 : memref<80x128xf32, #tpu.memory_space<vmem>>)
      %dma_wait3A_95 = arith.constant 4 : i32
      %dma_wait3A_96 = arith.constant 320 : i32
      %dma_wait3A_97 = arith.constant 0 : i32
      %dma_wait3A_98 = tpu.memref_slice %arg6[%dma_wait3A_96, %dma_wait3A_97] : memref<400x128xf32, #tpu.memory_space<vmem>> -> memref<80x128xf32, #tpu.memory_space<vmem>>
      %dma_wait3A_99 = arith.constant 0 : i32
      %dma_wait3A_100 = tpu.memref_slice %arg5[%dma_wait3A_95, %dma_wait3A_99] : memref<5x80xi32, #tpu.memory_space<vmem>> -> memref<1x80xi32, #tpu.memory_space<vmem>>
      %dma_wait3A_101 = tpu.memref_squeeze %dma_wait3A_100 : memref<1x80xi32, #tpu.memory_space<vmem>> -> memref<80xi32, #tpu.memory_space<vmem>>
      %dma_wait3A_102 = arith.constant 0 : i32
      %dma_wait3A_103 = arith.constant 0 : i32
      %dma_wait3A_104 = tpu.memref_slice %arg2[%dma_wait3A_102, %dma_wait3A_103] : memref<10496x128xf32, #tpu.memory_space<hbm>> -> memref<10496x128xf32, #tpu.memory_space<hbm>>
      tpu.wait_indirect_dma semaphore(%arg7 : memref<!tpu.dma_semaphore, #tpu.memory_space<semaphore_mem>>) src(%dma_wait3A_104 : memref<10496x128xf32, #tpu.memory_space<hbm>>) dst(%dma_wait3A_98 : memref<80x128xf32, #tpu.memory_space<vmem>>)
      %mul3A_105 = arith.constant 10000 : i32
      %mul3A_106 = arith.muli %add3A, %mul3A_105 : i32
      %mul3A_107 = arith.constant 400 : i32
      %mul3A_108 = arith.muli %scan3A_6, %mul3A_107 : i32
      %add3A_109 = arith.addi %mul3A_106, %mul3A_108 : i32
      "tpu.region"() ({
        %run_scoped3A = tpu.sem_alloc : memref<!tpu.dma_semaphore, #tpu.memory_space<semaphore_mem>>
        %dma_start3A_110 = arith.constant 0 : i32
        %dma_start3A_111 = tpu.memref_slice %arg4[%add3A_109, %dma_start3A_110] : memref<320000x128xf32, #tpu.memory_space<hbm>> -> memref<400x128xf32, #tpu.memory_space<hbm>>
        %dma_start3A_112 = arith.constant 0 : i32
        %dma_start3A_113 = tpu.memref_slice %arg4[%add3A_109, %dma_start3A_112] : memref<320000x128xf32, #tpu.memory_space<hbm>> -> memref<400x128xf32, #tpu.memory_space<hbm>>
        tpu.enqueue_dma source(%arg6 : memref<400x128xf32, #tpu.memory_space<vmem>>) target(%dma_start3A_113 : memref<400x128xf32, #tpu.memory_space<hbm>>) target_semaphore(%run_scoped3A : memref<!tpu.dma_semaphore, #tpu.memory_space<semaphore_mem>>)
        %dma_wait3A_114 = arith.constant 0 : i32
        %dma_wait3A_115 = tpu.memref_slice %arg4[%add3A_109, %dma_wait3A_114] : memref<320000x128xf32, #tpu.memory_space<hbm>> -> memref<400x128xf32, #tpu.memory_space<hbm>>
        %dma_wait3A_116 = arith.constant 0 : i32
        %dma_wait3A_117 = tpu.memref_slice %arg4[%add3A_109, %dma_wait3A_116] : memref<320000x128xf32, #tpu.memory_space<hbm>> -> memref<400x128xf32, #tpu.memory_space<hbm>>
        tpu.wait_dma2 semaphore(%run_scoped3A : memref<!tpu.dma_semaphore, #tpu.memory_space<semaphore_mem>>) src(%arg6 : memref<400x128xf32, #tpu.memory_space<vmem>>) dst(%dma_wait3A_117 : memref<400x128xf32, #tpu.memory_space<hbm>>)
        tpu.yield
      }) : () -> ()
    }
    %scan3A_5 = arith.constant 25 : i32
    return
  }
}

module attributes {stable_mosaic.version = 14 : i64} {
  func.func @_seg_mlp_kernel(%arg0: i32, %arg1: memref<1x1x4000xi32, #tpu.memory_space<smem>>, %arg2: memref<1x1x4000xi32, #tpu.memory_space<vmem>>, %arg3: memref<4000x128xf32, #tpu.memory_space<vmem>>, %arg4: memref<128x128xf32, #tpu.memory_space<vmem>>, %arg5: memref<1x128xf32, #tpu.memory_space<vmem>>, %arg6: memref<128x128xf32, #tpu.memory_space<vmem>>, %arg7: memref<1x128xf32, #tpu.memory_space<vmem>>, %arg8: memref<10496x128xf32, #tpu.memory_space<vmem>>, %arg9: memref<10496x128xf32, #tpu.memory_space<vmem>>, %arg10: memref<10496x128xf32, #tpu.memory_space<vmem>>) attributes {dimension_semantics = [#tpu.dimension_semantics<arbitrary>], iteration_bounds = array<i64: 81>, scalar_prefetch = 0 : i64, scratch_operands = 2 : i64, tpu.core_type = #tpu.core_type<tc>, window_params = [{transform_indices = @transform_0, window_bounds = array<i64: 1, 1, 4000>}, {transform_indices = @transform_1, window_bounds = array<i64: 1, 1, 4000>}, {transform_indices = @transform_2, window_bounds = array<i64: 4000, 128>}, {pipeline_mode = #tpu.pipeline_mode<synchronous>, transform_indices = @transform_3, window_bounds = array<i64: 128, 128>}, {pipeline_mode = #tpu.pipeline_mode<synchronous>, transform_indices = @transform_4, window_bounds = array<i64: 1, 128>}, {pipeline_mode = #tpu.pipeline_mode<synchronous>, transform_indices = @transform_5, window_bounds = array<i64: 128, 128>}, {pipeline_mode = #tpu.pipeline_mode<synchronous>, transform_indices = @transform_6, window_bounds = array<i64: 1, 128>}, {pipeline_mode = #tpu.pipeline_mode<synchronous>, transform_indices = @transform_7, window_bounds = array<i64: 10496, 128>}]} {
    %eq3A = arith.constant 0 : i32
    %eq3A_0 = arith.cmpi eq, %arg0, %eq3A : i32
    %convert_element_type3A = arith.extui %eq3A_0 : i1 to i32
    %cond3A = arith.constant 0 : i32
    %cond3A_1 = arith.cmpi ne, %convert_element_type3A, %cond3A : i32
    scf.if %cond3A_1 {
      %broadcast_in_dim3A = arith.constant 0.000000e+00 : f32
      %broadcast_in_dim3A_11 = vector.broadcast %broadcast_in_dim3A : f32 to vector<10496x128xf32>
      %swap3A = arith.constant 0 : index
      %swap3A_12 = arith.constant 0 : index
      %swap3A_13 = vector.load %arg9[%swap3A, %swap3A_12] : memref<10496x128xf32, #tpu.memory_space<vmem>>, vector<10496x128xf32>
      tpu.vector_store %arg9[%swap3A, %swap3A_12], %broadcast_in_dim3A_11 {strides = array<i32>} : memref<10496x128xf32, #tpu.memory_space<vmem>>, vector<10496x128xf32>,
      %broadcast_in_dim3A_14 = arith.constant 0.000000e+00 : f32
      %broadcast_in_dim3A_15 = vector.broadcast %broadcast_in_dim3A_14 : f32 to vector<10496x128xf32>
      %swap3A_16 = arith.constant 0 : index
      %swap3A_17 = arith.constant 0 : index
      %swap3A_18 = vector.load %arg10[%swap3A_16, %swap3A_17] : memref<10496x128xf32, #tpu.memory_space<vmem>>, vector<10496x128xf32>
      tpu.vector_store %arg10[%swap3A_16, %swap3A_17], %broadcast_in_dim3A_15 {strides = array<i32>} : memref<10496x128xf32, #tpu.memory_space<vmem>>, vector<10496x128xf32>,
    } else {
    }
    %lt3A = arith.constant 80 : i32
    %lt3A_2 = arith.cmpi slt, %arg0, %lt3A : i32
    %convert_element_type3A_3 = arith.extui %lt3A_2 : i1 to i32
    %cond3A_4 = arith.constant 0 : i32
    %cond3A_5 = arith.cmpi ne, %convert_element_type3A_3, %cond3A_4 : i32
    scf.if %cond3A_5 {
      %get3A = arith.constant 0 : index
      %get3A_11 = arith.constant 0 : index
      %get3A_12 = arith.constant 0 : index
      %get3A_13 = memref.load %arg1[%get3A, %get3A_11, %get3A_12] : memref<1x1x4000xi32, #tpu.memory_space<smem>>
      %get3A_14 = arith.constant 0 : index
      %get3A_15 = arith.constant 0 : index
      %get3A_16 = arith.constant 3999 : index
      %get3A_17 = memref.load %arg1[%get3A_14, %get3A_15, %get3A_16] : memref<1x1x4000xi32, #tpu.memory_space<smem>>
      %jit3A = arith.constant 8 : i32
      %div3A = arith.divsi %get3A_13, %jit3A : i32
      %sign3A = arith.constant 0 : i32
      %sign3A_18 = arith.cmpi sgt, %get3A_13, %sign3A : i32
      %sign3A_19 = arith.extui %sign3A_18 : i1 to i32
      %sign3A_20 = arith.constant 0 : i32
      %sign3A_21 = arith.cmpi slt, %get3A_13, %sign3A_20 : i32
      %sign3A_22 = arith.extui %sign3A_21 : i1 to i32
      %sign3A_23 = arith.subi %sign3A_19, %sign3A_22 : i32
      %sign3A_24 = arith.constant 0 : i32
      %sign3A_25 = arith.cmpi sgt, %jit3A, %sign3A_24 : i32
      %sign3A_26 = arith.extui %sign3A_25 : i1 to i32
      %sign3A_27 = arith.constant 0 : i32
      %sign3A_28 = arith.cmpi slt, %jit3A, %sign3A_27 : i32
      %sign3A_29 = arith.extui %sign3A_28 : i1 to i32
      %sign3A_30 = arith.subi %sign3A_26, %sign3A_29 : i32
      %ne3A = arith.cmpi ne, %sign3A_23, %sign3A_30 : i32
      %rem3A = arith.remsi %get3A_13, %jit3A : i32
      %ne3A_31 = arith.constant 0 : i32
      %ne3A_32 = arith.cmpi ne, %rem3A, %ne3A_31 : i32
      %and3A = arith.andi %ne3A, %ne3A_32 : i1
      %sub3A = arith.constant 1 : i32
      %sub3A_33 = arith.subi %div3A, %sub3A : i32
      %select_n3A = arith.select %and3A, %sub3A_33, %div3A : i32
      %mul3A = arith.constant 8 : i32
      %mul3A_34 = arith.muli %select_n3A, %mul3A : i32
      %sub3A_35 = arith.subi %get3A_17, %mul3A_34 : i32
      %jit3A_36 = arith.constant 256 : i32
      %div3A_37 = arith.divsi %sub3A_35, %jit3A_36 : i32
      %sign3A_38 = arith.constant 0 : i32
      %sign3A_39 = arith.cmpi sgt, %sub3A_35, %sign3A_38 : i32
      %sign3A_40 = arith.extui %sign3A_39 : i1 to i32
      %sign3A_41 = arith.constant 0 : i32
      %sign3A_42 = arith.cmpi slt, %sub3A_35, %sign3A_41 : i32
      %sign3A_43 = arith.extui %sign3A_42 : i1 to i32
      %sign3A_44 = arith.subi %sign3A_40, %sign3A_43 : i32
      %sign3A_45 = arith.constant 0 : i32
      %sign3A_46 = arith.cmpi sgt, %jit3A_36, %sign3A_45 : i32
      %sign3A_47 = arith.extui %sign3A_46 : i1 to i32
      %sign3A_48 = arith.constant 0 : i32
      %sign3A_49 = arith.cmpi slt, %jit3A_36, %sign3A_48 : i32
      %sign3A_50 = arith.extui %sign3A_49 : i1 to i32
      %sign3A_51 = arith.subi %sign3A_47, %sign3A_50 : i32
      %ne3A_52 = arith.cmpi ne, %sign3A_44, %sign3A_51 : i32
      %rem3A_53 = arith.remsi %sub3A_35, %jit3A_36 : i32
      %ne3A_54 = arith.constant 0 : i32
      %ne3A_55 = arith.cmpi ne, %rem3A_53, %ne3A_54 : i32
      %and3A_56 = arith.andi %ne3A_52, %ne3A_55 : i1
      %sub3A_57 = arith.constant 1 : i32
      %sub3A_58 = arith.subi %div3A_37, %sub3A_57 : i32
      %select_n3A_59 = arith.select %and3A_56, %sub3A_58, %div3A_37 : i32
      %add3A = arith.constant 1 : i32
      %add3A_60 = arith.addi %select_n3A_59, %add3A : i32
      %get3A_61 = arith.constant 0 : index
      %get3A_62 = arith.constant 0 : index
      %get3A_63 = arith.constant 0 : index
      %get3A_64 = vector.load %arg2[%get3A_61, %get3A_62, %get3A_63] : memref<1x1x4000xi32, #tpu.memory_space<vmem>>, vector<1x1x4000xi32>
      %get3A_65 = vector.shape_cast %get3A_64 : vector<1x1x4000xi32> to vector<1x4000xi32>
      %iota3A = tpu.iota {dimensions = array<i32: 0>} : vector<256x4000xi32>
      %get3A_66 = arith.constant 0 : index
      %get3A_67 = arith.constant 0 : index
      %get3A_68 = vector.load %arg3[%get3A_66, %get3A_67] : memref<4000x128xf32, #tpu.memory_space<vmem>>, vector<4000x128xf32>
      %convert_element_type3A_69 = arith.truncf %get3A_68 : vector<4000x128xf32> to vector<4000x128xbf16>
      %broadcast_in_dim3A = arith.constant 1.000000e+00 : bf16
      %broadcast_in_dim3A_70 = vector.broadcast %broadcast_in_dim3A : bf16 to vector<4000x128xbf16>
      %sub3A_71 = vector.broadcast %mul3A_34 : i32 to vector<1x4000xi32>
      %sub3A_72 = arith.subi %get3A_65, %sub3A_71 : vector<1x4000xi32>
      %eq3A_73 = vector.broadcast %sub3A_72 : vector<1x4000xi32> to vector<256x4000xi32>
      %eq3A_74 = arith.cmpi eq, %iota3A, %eq3A_73 : vector<256x4000xi32>
      %convert_element_type3A_75 = arith.extui %eq3A_74 : vector<256x4000xi1> to vector<256x4000xi32>
      %convert_element_type3A_76 = arith.sitofp %convert_element_type3A_75 : vector<256x4000xi32> to vector<256x4000xf32>
      %convert_element_type3A_77 = arith.truncf %convert_element_type3A_76 : vector<256x4000xf32> to vector<256x4000xbf16>
      %dot_general3A = arith.constant dense<0.000000e+00> : vector<256x128xf32>
      %dot_general3A_78 = tpu.matmul %convert_element_type3A_77, %convert_element_type3A_69, %dot_general3A {dimension_numbers = #tpu.dot_dimension_numbers<[1], [0], [0], [1], [0, 0, 1, 1], [], []>, transpose_lhs_hint = false} : vector<256x4000xbf16>, vector<4000x128xbf16>, vector<256x128xf32> -> vector<256x128xf32>
      %dot_general3A_79 = arith.constant dense<0.000000e+00> : vector<256x128xf32>
      %dot_general3A_80 = tpu.matmul %convert_element_type3A_77, %broadcast_in_dim3A_70, %dot_general3A_79 {dimension_numbers = #tpu.dot_dimension_numbers<[1], [0], [0], [1], [0, 0, 1, 1], [], []>, transpose_lhs_hint = false} : vector<256x4000xbf16>, vector<4000x128xbf16>, vector<256x128xf32> -> vector<256x128xf32>
      %get3A_81 = arith.index_cast %mul3A_34 : i32 to index
      %get3A_82 = arith.constant 0 : index
      %get3A_83 = vector.load %arg9[%get3A_81, %get3A_82] : memref<10496x128xf32, #tpu.memory_space<vmem>>, vector<256x128xf32>
      %add3A_84 = arith.addf %get3A_83, %dot_general3A_78 : vector<256x128xf32>
      %swap3A = arith.index_cast %mul3A_34 : i32 to index
      %swap3A_85 = arith.constant 0 : index
      %swap3A_86 = vector.load %arg9[%swap3A, %swap3A_85] : memref<10496x128xf32, #tpu.memory_space<vmem>>, vector<256x128xf32>
      tpu.vector_store %arg9[%swap3A, %swap3A_85], %add3A_84 {strides = array<i32>} : memref<10496x128xf32, #tpu.memory_space<vmem>>, vector<256x128xf32>,
      %get3A_87 = arith.index_cast %mul3A_34 : i32 to index
      %get3A_88 = arith.constant 0 : index
      %get3A_89 = vector.load %arg10[%get3A_87, %get3A_88] : memref<10496x128xf32, #tpu.memory_space<vmem>>, vector<256x128xf32>
      %add3A_90 = arith.addf %get3A_89, %dot_general3A_80 : vector<256x128xf32>
      %swap3A_91 = arith.index_cast %mul3A_34 : i32 to index
      %swap3A_92 = arith.constant 0 : index
      %swap3A_93 = vector.load %arg10[%swap3A_91, %swap3A_92] : memref<10496x128xf32, #tpu.memory_space<vmem>>, vector<256x128xf32>
      tpu.vector_store %arg10[%swap3A_91, %swap3A_92], %add3A_90 {strides = array<i32>} : memref<10496x128xf32, #tpu.memory_space<vmem>>, vector<256x128xf32>,
      %gt3A = arith.constant 1 : i32
      %gt3A_94 = arith.cmpi sgt, %add3A_60, %gt3A : i32
      %convert_element_type3A_95 = arith.extui %gt3A_94 : i1 to i32
      %cond3A_96 = arith.constant 0 : i32
      %cond3A_97 = arith.cmpi ne, %convert_element_type3A_95, %cond3A_96 : i32
      scf.if %cond3A_97 {
        %while3A = arith.constant 0 : i32
        %while3A_98 = arith.constant 1 : i32
        %while3A_99 = arith.subi %add3A_60, %while3A_98 : i32
        %while3A_100 = arith.addi %while3A_98, %while3A_99 : i32
        %while3A_101 = arith.constant 1 : i32
        %while3A_102 = arith.divsi %while3A_99, %while3A_101 : i32
        %while3A_103 = arith.muli %while3A_102, %while3A_101 : i32
        %while3A_104 = arith.addi %while3A_98, %while3A_103 : i32
        %while3A_105 = arith.constant 1 : i32
        scf.for %while3A_107 = %while3A_98 to %while3A_104 step %while3A_105  : i32 {
          %mul3A_108 = arith.constant 256 : i32
          %mul3A_109 = arith.muli %while3A_107, %mul3A_108 : i32
          %add3A_110 = arith.addi %mul3A_34, %mul3A_109 : i32
          %sub3A_111 = vector.broadcast %add3A_110 : i32 to vector<1x4000xi32>
          %sub3A_112 = arith.subi %get3A_65, %sub3A_111 : vector<1x4000xi32>
          %eq3A_113 = vector.broadcast %sub3A_112 : vector<1x4000xi32> to vector<256x4000xi32>
          %eq3A_114 = arith.cmpi eq, %iota3A, %eq3A_113 : vector<256x4000xi32>
          %convert_element_type3A_115 = arith.extui %eq3A_114 : vector<256x4000xi1> to vector<256x4000xi32>
          %convert_element_type3A_116 = arith.sitofp %convert_element_type3A_115 : vector<256x4000xi32> to vector<256x4000xf32>
          %convert_element_type3A_117 = arith.truncf %convert_element_type3A_116 : vector<256x4000xf32> to vector<256x4000xbf16>
          %dot_general3A_118 = arith.constant dense<0.000000e+00> : vector<256x128xf32>
          %dot_general3A_119 = tpu.matmul %convert_element_type3A_117, %convert_element_type3A_69, %dot_general3A_118 {dimension_numbers = #tpu.dot_dimension_numbers<[1], [0], [0], [1], [0, 0, 1, 1], [], []>, transpose_lhs_hint = false} : vector<256x4000xbf16>, vector<4000x128xbf16>, vector<256x128xf32> -> vector<256x128xf32>
          %dot_general3A_120 = arith.constant dense<0.000000e+00> : vector<256x128xf32>
          %dot_general3A_121 = tpu.matmul %convert_element_type3A_117, %broadcast_in_dim3A_70, %dot_general3A_120 {dimension_numbers = #tpu.dot_dimension_numbers<[1], [0], [0], [1], [0, 0, 1, 1], [], []>, transpose_lhs_hint = false} : vector<256x4000xbf16>, vector<4000x128xbf16>, vector<256x128xf32> -> vector<256x128xf32>
          %get3A_122 = arith.index_cast %add3A_110 : i32 to index
          %get3A_123 = arith.constant 0 : index
          %get3A_124 = vector.load %arg9[%get3A_122, %get3A_123] : memref<10496x128xf32, #tpu.memory_space<vmem>>, vector<256x128xf32>
          %add3A_125 = arith.addf %get3A_124, %dot_general3A_119 : vector<256x128xf32>
          %swap3A_126 = arith.index_cast %add3A_110 : i32 to index
          %swap3A_127 = arith.constant 0 : index
          %swap3A_128 = vector.load %arg9[%swap3A_126, %swap3A_127] : memref<10496x128xf32, #tpu.memory_space<vmem>>, vector<256x128xf32>
          tpu.vector_store %arg9[%swap3A_126, %swap3A_127], %add3A_125 {strides = array<i32>} : memref<10496x128xf32, #tpu.memory_space<vmem>>, vector<256x128xf32>,
          %get3A_129 = arith.index_cast %add3A_110 : i32 to index
          %get3A_130 = arith.constant 0 : index
          %get3A_131 = vector.load %arg10[%get3A_129, %get3A_130] : memref<10496x128xf32, #tpu.memory_space<vmem>>, vector<256x128xf32>
          %add3A_132 = arith.addf %get3A_131, %dot_general3A_121 : vector<256x128xf32>
          %swap3A_133 = arith.index_cast %add3A_110 : i32 to index
          %swap3A_134 = arith.constant 0 : index
          %swap3A_135 = vector.load %arg10[%swap3A_133, %swap3A_134] : memref<10496x128xf32, #tpu.memory_space<vmem>>, vector<256x128xf32>
          tpu.vector_store %arg10[%swap3A_133, %swap3A_134], %add3A_132 {strides = array<i32>} : memref<10496x128xf32, #tpu.memory_space<vmem>>, vector<256x128xf32>,
        }
        %while3A_106 = arith.constant 1 : i32
        scf.for %while3A_107 = %while3A_104 to %while3A_100 step %while3A_106  : i32 {
          %mul3A_108 = arith.constant 256 : i32
          %mul3A_109 = arith.muli %while3A_107, %mul3A_108 : i32
          %add3A_110 = arith.addi %mul3A_34, %mul3A_109 : i32
          %sub3A_111 = vector.broadcast %add3A_110 : i32 to vector<1x4000xi32>
          %sub3A_112 = arith.subi %get3A_65, %sub3A_111 : vector<1x4000xi32>
          %eq3A_113 = vector.broadcast %sub3A_112 : vector<1x4000xi32> to vector<256x4000xi32>
          %eq3A_114 = arith.cmpi eq, %iota3A, %eq3A_113 : vector<256x4000xi32>
          %convert_element_type3A_115 = arith.extui %eq3A_114 : vector<256x4000xi1> to vector<256x4000xi32>
          %convert_element_type3A_116 = arith.sitofp %convert_element_type3A_115 : vector<256x4000xi32> to vector<256x4000xf32>
          %convert_element_type3A_117 = arith.truncf %convert_element_type3A_116 : vector<256x4000xf32> to vector<256x4000xbf16>
          %dot_general3A_118 = arith.constant dense<0.000000e+00> : vector<256x128xf32>
          %dot_general3A_119 = tpu.matmul %convert_element_type3A_117, %convert_element_type3A_69, %dot_general3A_118 {dimension_numbers = #tpu.dot_dimension_numbers<[1], [0], [0], [1], [0, 0, 1, 1], [], []>, transpose_lhs_hint = false} : vector<256x4000xbf16>, vector<4000x128xbf16>, vector<256x128xf32> -> vector<256x128xf32>
          %dot_general3A_120 = arith.constant dense<0.000000e+00> : vector<256x128xf32>
          %dot_general3A_121 = tpu.matmul %convert_element_type3A_117, %broadcast_in_dim3A_70, %dot_general3A_120 {dimension_numbers = #tpu.dot_dimension_numbers<[1], [0], [0], [1], [0, 0, 1, 1], [], []>, transpose_lhs_hint = false} : vector<256x4000xbf16>, vector<4000x128xbf16>, vector<256x128xf32> -> vector<256x128xf32>
          %get3A_122 = arith.index_cast %add3A_110 : i32 to index
          %get3A_123 = arith.constant 0 : index
          %get3A_124 = vector.load %arg9[%get3A_122, %get3A_123] : memref<10496x128xf32, #tpu.memory_space<vmem>>, vector<256x128xf32>
          %add3A_125 = arith.addf %get3A_124, %dot_general3A_119 : vector<256x128xf32>
          %swap3A_126 = arith.index_cast %add3A_110 : i32 to index
          %swap3A_127 = arith.constant 0 : index
          %swap3A_128 = vector.load %arg9[%swap3A_126, %swap3A_127] : memref<10496x128xf32, #tpu.memory_space<vmem>>, vector<256x128xf32>
          tpu.vector_store %arg9[%swap3A_126, %swap3A_127], %add3A_125 {strides = array<i32>} : memref<10496x128xf32, #tpu.memory_space<vmem>>, vector<256x128xf32>,
          %get3A_129 = arith.index_cast %add3A_110 : i32 to index
          %get3A_130 = arith.constant 0 : index
          %get3A_131 = vector.load %arg10[%get3A_129, %get3A_130] : memref<10496x128xf32, #tpu.memory_space<vmem>>, vector<256x128xf32>
          %add3A_132 = arith.addf %get3A_131, %dot_general3A_121 : vector<256x128xf32>
          %swap3A_133 = arith.index_cast %add3A_110 : i32 to index
          %swap3A_134 = arith.constant 0 : index
          %swap3A_135 = vector.load %arg10[%swap3A_133, %swap3A_134] : memref<10496x128xf32, #tpu.memory_space<vmem>>, vector<256x128xf32>
          tpu.vector_store %arg10[%swap3A_133, %swap3A_134], %add3A_132 {strides = array<i32>} : memref<10496x128xf32, #tpu.memory_space<vmem>>, vector<256x128xf32>,
        }
      } else {
      }
    } else {
    }
    %eq3A_6 = arith.constant 80 : i32
    %eq3A_7 = arith.cmpi eq, %arg0, %eq3A_6 : i32
    %convert_element_type3A_8 = arith.extui %eq3A_7 : i1 to i32
    %cond3A_9 = arith.constant 0 : i32
    %cond3A_10 = arith.cmpi ne, %convert_element_type3A_8, %cond3A_9 : i32
    scf.if %cond3A_10 {
      %get3A = arith.constant 0 : index
      %get3A_11 = arith.constant 0 : index
      %get3A_12 = vector.load %arg9[%get3A, %get3A_11] : memref<10496x128xf32, #tpu.memory_space<vmem>>, vector<10496x128xf32>
      %get3A_13 = arith.constant 0 : index
      %get3A_14 = arith.constant 0 : index
      %get3A_15 = vector.load %arg10[%get3A_13, %get3A_14] : memref<10496x128xf32, #tpu.memory_space<vmem>>, vector<10496x128xf32>
      %max3A = arith.constant 1.000000e+00 : f32
      %max3A_16 = vector.broadcast %max3A : f32 to vector<10496x128xf32>
      %max3A_17 = arith.maximumf %get3A_15, %max3A_16 : vector<10496x128xf32>
      %div3A = arith.divf %get3A_12, %max3A_17 : vector<10496x128xf32>
      %get3A_18 = arith.constant 0 : index
      %get3A_19 = arith.constant 0 : index
      %get3A_20 = vector.load %arg4[%get3A_18, %get3A_19] : memref<128x128xf32, #tpu.memory_space<vmem>>, vector<128x128xf32>
      %dot_general3A = arith.constant dense<0.000000e+00> : vector<10496x128xf32>
      %dot_general3A_21 = tpu.matmul %div3A, %get3A_20, %dot_general3A {dimension_numbers = #tpu.dot_dimension_numbers<[1], [0], [0], [1], [0, 0, 1, 1], [], []>, transpose_lhs_hint = false} : vector<10496x128xf32>, vector<128x128xf32>, vector<10496x128xf32> -> vector<10496x128xf32>
      %get3A_22 = arith.constant 0 : index
      %get3A_23 = arith.constant 0 : index
      %get3A_24 = vector.load %arg5[%get3A_22, %get3A_23] : memref<1x128xf32, #tpu.memory_space<vmem>>, vector<1x128xf32>
      %add3A = vector.broadcast %get3A_24 : vector<1x128xf32> to vector<10496x128xf32>
      %add3A_25 = arith.addf %dot_general3A_21, %add3A : vector<10496x128xf32>
      %max3A_26 = arith.constant 0.000000e+00 : f32
      %max3A_27 = vector.broadcast %max3A_26 : f32 to vector<10496x128xf32>
      %max3A_28 = arith.maximumf %add3A_25, %max3A_27 : vector<10496x128xf32>
      %get3A_29 = arith.constant 0 : index
      %get3A_30 = arith.constant 0 : index
      %get3A_31 = vector.load %arg6[%get3A_29, %get3A_30] : memref<128x128xf32, #tpu.memory_space<vmem>>, vector<128x128xf32>
      %dot_general3A_32 = arith.constant dense<0.000000e+00> : vector<10496x128xf32>
      %dot_general3A_33 = tpu.matmul %max3A_28, %get3A_31, %dot_general3A_32 {dimension_numbers = #tpu.dot_dimension_numbers<[1], [0], [0], [1], [0, 0, 1, 1], [], []>, transpose_lhs_hint = false} : vector<10496x128xf32>, vector<128x128xf32>, vector<10496x128xf32> -> vector<10496x128xf32>
      %get3A_34 = arith.constant 0 : index
      %get3A_35 = arith.constant 0 : index
      %get3A_36 = vector.load %arg7[%get3A_34, %get3A_35] : memref<1x128xf32, #tpu.memory_space<vmem>>, vector<1x128xf32>
      %add3A_37 = vector.broadcast %get3A_36 : vector<1x128xf32> to vector<10496x128xf32>
      %add3A_38 = arith.addf %dot_general3A_33, %add3A_37 : vector<10496x128xf32>
      %swap3A = arith.constant 0 : index
      %swap3A_39 = arith.constant 0 : index
      %swap3A_40 = vector.load %arg8[%swap3A, %swap3A_39] : memref<10496x128xf32, #tpu.memory_space<vmem>>, vector<10496x128xf32>
      tpu.vector_store %arg8[%swap3A, %swap3A_39], %add3A_38 {strides = array<i32>} : memref<10496x128xf32, #tpu.memory_space<vmem>>, vector<10496x128xf32>,
    } else {
    }
    return
  }
  func.func @transform_0(%arg0: i32) -> (i32, i32, i32) {
    %min3A = arith.constant 79 : i32
    %min3A_0 = arith.minsi %arg0, %min3A : i32
    %c0_i32 = arith.constant 0 : i32
    %c0_i32_1 = arith.constant 0 : i32
    %c0_i32_2 = arith.constant 0 : i32
    return %min3A_0, %c0_i32, %c0_i32_1 : i32, i32, i32
  }
  func.func @transform_1(%arg0: i32) -> (i32, i32, i32) {
    %min3A = arith.constant 79 : i32
    %min3A_0 = arith.minsi %arg0, %min3A : i32
    %c0_i32 = arith.constant 0 : i32
    %c0_i32_1 = arith.constant 0 : i32
    %c0_i32_2 = arith.constant 0 : i32
    return %min3A_0, %c0_i32, %c0_i32_1 : i32, i32, i32
  }
  func.func @transform_2(%arg0: i32) -> (i32, i32) {
    %min3A = arith.constant 79 : i32
    %min3A_0 = arith.minsi %arg0, %min3A : i32
    %c0_i32 = arith.constant 0 : i32
    %c0_i32_1 = arith.constant 0 : i32
    return %min3A_0, %c0_i32 : i32, i32
  }
  func.func @transform_3(%arg0: i32) -> (i32, i32) {
    %c0_i32 = arith.constant 0 : i32
    %c0_i32_0 = arith.constant 0 : i32
    %c0_i32_1 = arith.constant 0 : i32
    return %c0_i32, %c0_i32_0 : i32, i32
  }
  func.func @transform_4(%arg0: i32) -> (i32, i32) {
    %c0_i32 = arith.constant 0 : i32
    %c0_i32_0 = arith.constant 0 : i32
    %c0_i32_1 = arith.constant 0 : i32
    return %c0_i32, %c0_i32_0 : i32, i32
  }
  func.func @transform_5(%arg0: i32) -> (i32, i32) {
    %c0_i32 = arith.constant 0 : i32
    %c0_i32_0 = arith.constant 0 : i32
    %c0_i32_1 = arith.constant 0 : i32
    return %c0_i32, %c0_i32_0 : i32, i32
  }
  func.func @transform_6(%arg0: i32) -> (i32, i32) {
    %c0_i32 = arith.constant 0 : i32
    %c0_i32_0 = arith.constant 0 : i32
    %c0_i32_1 = arith.constant 0 : i32
    return %c0_i32, %c0_i32_0 : i32, i32
  }
  func.func @transform_7(%arg0: i32) -> (i32, i32) {
    %c0_i32 = arith.constant 0 : i32
    %c0_i32_0 = arith.constant 0 : i32
    %c0_i32_1 = arith.constant 0 : i32
    return %c0_i32, %c0_i32_0 : i32, i32
  }
}

module attributes {stable_mosaic.version = 14 : i64} {
  func.func @_pass2_kernel(%arg0: i32, %arg1: memref<4000x128xf32, #tpu.memory_space<vmem>>, %arg2: memref<4000x128xf32, #tpu.memory_space<vmem>>, %arg3: memref<1x128xf32, #tpu.memory_space<vmem>>, %arg4: memref<1x128xf32, #tpu.memory_space<vmem>>, %arg5: memref<4000x128xf32, #tpu.memory_space<vmem>>) attributes {dimension_semantics = [#tpu.dimension_semantics<arbitrary>], iteration_bounds = array<i64: 80>, scalar_prefetch = 0 : i64, scratch_operands = 0 : i64, tpu.core_type = #tpu.core_type<tc>, window_params = [{transform_indices = @transform_0, window_bounds = array<i64: 4000, 128>}, {transform_indices = @transform_1, window_bounds = array<i64: 4000, 128>}, {pipeline_mode = #tpu.pipeline_mode<synchronous>, transform_indices = @transform_2, window_bounds = array<i64: 1, 128>}, {pipeline_mode = #tpu.pipeline_mode<synchronous>, transform_indices = @transform_3, window_bounds = array<i64: 1, 128>}, {transform_indices = @transform_4, window_bounds = array<i64: 4000, 128>}]} {
    %get3A = arith.constant 0 : index
    %get3A_0 = arith.constant 0 : index
    %get3A_1 = vector.load %arg1[%get3A, %get3A_0] : memref<4000x128xf32, #tpu.memory_space<vmem>>, vector<4000x128xf32>
    %get3A_2 = arith.constant 0 : index
    %get3A_3 = arith.constant 0 : index
    %get3A_4 = vector.load %arg2[%get3A_2, %get3A_3] : memref<4000x128xf32, #tpu.memory_space<vmem>>, vector<4000x128xf32>
    %add3A = arith.addf %get3A_1, %get3A_4 : vector<4000x128xf32>
    %broadcast_in_dim3A = arith.constant 7.812500e-03 : bf16
    %broadcast_in_dim3A_5 = vector.broadcast %broadcast_in_dim3A : bf16 to vector<128x128xbf16>
    %convert_element_type3A = arith.truncf %add3A : vector<4000x128xf32> to vector<4000x128xbf16>
    %dot_general3A = arith.constant dense<0.000000e+00> : vector<4000x128xf32>
    %dot_general3A_6 = tpu.matmul %convert_element_type3A, %broadcast_in_dim3A_5, %dot_general3A {dimension_numbers = #tpu.dot_dimension_numbers<[1], [0], [0], [1], [0, 0, 1, 1], [], []>, transpose_lhs_hint = false} : vector<4000x128xbf16>, vector<128x128xbf16>, vector<4000x128xf32> -> vector<4000x128xf32>
    %sub3A = arith.subf %add3A, %dot_general3A_6 : vector<4000x128xf32>
    %mul3A = arith.mulf %sub3A, %sub3A : vector<4000x128xf32>
    %convert_element_type3A_7 = arith.truncf %mul3A : vector<4000x128xf32> to vector<4000x128xbf16>
    %dot_general3A_8 = arith.constant dense<0.000000e+00> : vector<4000x128xf32>
    %dot_general3A_9 = tpu.matmul %convert_element_type3A_7, %broadcast_in_dim3A_5, %dot_general3A_8 {dimension_numbers = #tpu.dot_dimension_numbers<[1], [0], [0], [1], [0, 0, 1, 1], [], []>, transpose_lhs_hint = false} : vector<4000x128xbf16>, vector<128x128xbf16>, vector<4000x128xf32> -> vector<4000x128xf32>
    %add3A_10 = arith.constant 9.99999974E-6 : f32
    %add3A_11 = vector.broadcast %add3A_10 : f32 to vector<4000x128xf32>
    %add3A_12 = arith.addf %dot_general3A_9, %add3A_11 : vector<4000x128xf32>
    %rsqrt3A = math.rsqrt %add3A_12 : vector<4000x128xf32>
    %mul3A_13 = arith.mulf %sub3A, %rsqrt3A : vector<4000x128xf32>
    %get3A_14 = arith.constant 0 : index
    %get3A_15 = arith.constant 0 : index
    %get3A_16 = vector.load %arg3[%get3A_14, %get3A_15] : memref<1x128xf32, #tpu.memory_space<vmem>>, vector<1x128xf32>
    %mul3A_17 = vector.broadcast %get3A_16 : vector<1x128xf32> to vector<4000x128xf32>
    %mul3A_18 = arith.mulf %mul3A_13, %mul3A_17 : vector<4000x128xf32>
    %get3A_19 = arith.constant 0 : index
    %get3A_20 = arith.constant 0 : index
    %get3A_21 = vector.load %arg4[%get3A_19, %get3A_20] : memref<1x128xf32, #tpu.memory_space<vmem>>, vector<1x128xf32>
    %add3A_22 = vector.broadcast %get3A_21 : vector<1x128xf32> to vector<4000x128xf32>
    %add3A_23 = arith.addf %mul3A_18, %add3A_22 : vector<4000x128xf32>
    %swap3A = arith.constant 0 : index
    %swap3A_24 = arith.constant 0 : index
    %swap3A_25 = vector.load %arg5[%swap3A, %swap3A_24] : memref<4000x128xf32, #tpu.memory_space<vmem>>, vector<4000x128xf32>
    tpu.vector_store %arg5[%swap3A, %swap3A_24], %add3A_23 {strides = array<i32>} : memref<4000x128xf32, #tpu.memory_space<vmem>>, vector<4000x128xf32>,
    return
  }
  func.func @transform_0(%arg0: i32) -> (i32, i32) {
    %c0_i32 = arith.constant 0 : i32
    %c0_i32_0 = arith.constant 0 : i32
    return %arg0, %c0_i32 : i32, i32
  }
  func.func @transform_1(%arg0: i32) -> (i32, i32) {
    %c0_i32 = arith.constant 0 : i32
    %c0_i32_0 = arith.constant 0 : i32
    return %arg0, %c0_i32 : i32, i32
  }
  func.func @transform_2(%arg0: i32) -> (i32, i32) {
    %c0_i32 = arith.constant 0 : i32
    %c0_i32_0 = arith.constant 0 : i32
    %c0_i32_1 = arith.constant 0 : i32
    return %c0_i32, %c0_i32_0 : i32, i32
  }
  func.func @transform_3(%arg0: i32) -> (i32, i32) {
    %c0_i32 = arith.constant 0 : i32
    %c0_i32_0 = arith.constant 0 : i32
    %c0_i32_1 = arith.constant 0 : i32
    return %c0_i32, %c0_i32_0 : i32, i32
  }
  func.func @transform_4(%arg0: i32) -> (i32, i32) {
    %c0_i32 = arith.constant 0 : i32
    %c0_i32_0 = arith.constant 0 : i32
    return %arg0, %c0_i32 : i32, i32
  }
}

</mosaic_0001>

<sc_bundles>
// kernel: kernel.5.cloned.1.call-start
scs
__scs_entry_jumppad:
0x0: {  	(pc) =	sbr.rel $0x88, $3  }
0x1: {  	(tag) =	ssettag $0x0;
	lr =	simm.s32 $0x1  }
0x2: {  	[smem:$0x3F99] =	sst lr;
	_ =	strace $0xD0000000  }
0x3: {  	_ = 	snop  }
0x4: {  	_ = 	snop  }
0x5: {  	_ = 	snop  }
0x6: {  	_ = 	snop  }
0x7: {  	_ = 	snop  }
__scs_overlays_trampoline_lowered:
0x8: {  	[smem:$0x3FA8] =	sst s0  }
0x9: {  	[smem:$0x3FA9] =	sst s1  }
0xa: {  	[smem:$0x3FAA] =	sst s2  }
0xb: {  	[smem:$0x3FAB] =	sst s3  }
0xc: {  	[smem:$0x3FAC] =	sst s4  }
0xd: {  	[smem:$0x3FAD] =	sst s5  }
0xe: {  	[smem:$0x3FAE] =	sst s6  }
0xf: {  	[smem:$0x3FAF] =	sst s7  }
0x10: {  	[smem:$0x3FB0] =	sst s8  }
0x11: {  	[smem:$0x3FB1] =	sst s9;
	s0 =	simm.s32 @!p0 $0x0  }
0x12: {  	s1 =	sld [smem:$0x3F97];
	s0 =	simm.s32 @p0 $0x1  }
0x13: {  	[smem:$0x3FB2] =	sst s0;
	s0 =	simm.s32 @!p1 $0x0  }
0x14: {  	s2 =	sld [smem:$0x3F96];
	s0 =	simm.s32 @p1 $0x1  }
0x15: {  	[smem:$0x3FB3] =	sst s0;
	s0 =	simm.s32 @!p2 $0x0  }
0x16: {  	s3 =	sld [smem:$0x3FDB];
	s0 =	simm.s32 @p2 $0x1  }
0x17: {  	s4 =	simm.s32 $0x1BF5;
	[smem:$0x3FB5] =	sst s0  }
0x18: {  	s0 =	sld [smem:$0x3F98];
	_ =	swait.ge [sflag:s4], $0x0  }
0x19: {  	s7 =	sld [smem:$0x3F99]  }
0x1a: {  	s8 =	sadd.s32 $0xFFFFE003, lr  }
0x1b: {  	s9 =	sadd.s32 $0xFFFFFEF7, lr;
	s5 =	simm.s32 $0xFFFFFFFF;
	p2 =	slt.u32 s8, $0xFFFFF086  }
0x1c: {  	p1 =	slt.u32 s9, $0xF7A;
	s5 =	simm.s32 @!p2 $0x0  }
0x1d: {  	s5 =	simm.s32 @p1 $0x1;
	p0 =	seq.s32 s7, s2  }
0x1e: {  	s7 =	smul.u32 @!p0 $0xF7A, s2;
	p2 =	seq.s32 @!p0 s5, $0x0  }
0x1f: {  	s9 =	smul.u32 $0xF7A, s1;
	s8 =	simm.s32 @!p0 $0x1BF5;
	p2 =	por !p2, p0  }
0x20: {  	[sflag:s8] =	ssyncset.s32 @!p0 $0xFFFFF086;
	s6 =	sadd.s32 @!p0 s3, s7;
	s7 =	simm.s32 @!p0 $0x108  }
0x21: {  	s3 =	sadd.s32 s3, s9;
	s6 =	sadd.s32 @!p0 $0x88, s6;
	s7 =	simm.s32 @p2 $0x1082  }
0x22: {  	[simem:s7], [sflag:s8] =	dma.local @!p0 [hbm:s6], $0xF7A  }
0x23: {  	s9 =	sor.u32 $0xD0000000, s2;
	s6 =	simm.s32 $0x108;
	_ =	swait.ge @!p0 [sflag:s8], $0x0  }
0x24: {  	s3 =	sadd.s32 $0x88, s3;
	s6 =	simm.s32 @!p1 $0x1082;
	[sflag:s4] =	ssyncset.s32 $0xFFFFF086  }
0x25: {  	[simem:s6], [sflag:s4] =	dma.local [hbm:s3], $0xF7A  }
0x26: {  	[smem:$0x3F99] =	sst s1;
	(tag) =	ssettag s2;
	_ =	strace s9  }
0x27: {  	s1 =	sld [smem:$0x3FA9]  }
0x28: {  	s2 =	sld [smem:$0x3FAA]  }
0x29: {  	s4 =	sld [smem:$0x3FAC]  }
0x2a: {  	p0 =	seq.s32 s5, $0x0;
	s5 =	sld [smem:$0x3FAD]  }
0x2b: {  	s6 =	sld [smem:$0x3FAE]  }
0x2c: {  	s7 =	sld [smem:$0x3FAF]  }
0x2d: {  	s3 =	simm.s32 $0x108;
	s8 =	sld [smem:$0x3FB0]  }
0x2e: {  	s3 =	simm.s32 @!p0 $0x1082;
	s9 =	sld [smem:$0x3FB1]  }
0x2f: {  	lr =	sadd.s32 s0, s3;
	s0 =	sld [smem:$0x3FA8]  }
0x30: {  	s3 =	sld [smem:$0x3FAB]  }
0x31: {  	[smem:$0x3FB4] =	sst s10  }
0x32: {  	s10 =	sld [smem:$0x3FB2];
	_ =	sdelay $0x3  }
0x33: {  	p0 =	seq.s32 s10, $0x1;
	s10 =	sld [smem:$0x3FB4];
	_ =	sdelay $0x3  }
0x34: {  	[smem:$0x3FB4] =	sst s10  }
0x35: {  	s10 =	sld [smem:$0x3FB3];
	_ =	sdelay $0x3  }
0x36: {  	p1 =	seq.s32 s10, $0x1;
	s10 =	sld [smem:$0x3FB4];
	_ =	sdelay $0x3  }
0x37: {  	[smem:$0x3FB4] =	sst s10  }
0x38: {  	s10 =	sld [smem:$0x3FB5]  }
0x39: {  	_ = 	snop;
	(pc) =	sbr.ind lr, $3  }
0x3a: {  	_ = 	snop  }
0x3b: {  	_ = 	snop  }
0x3c: {  	p2 =	seq.s32 s10, $0x1;
	s10 =	sld [smem:$0x3FB4]  }
0x3d: {  	_ =	shalt  }
0x3e: {  	_ =	shalt  }
0x3f: {  	_ =	shalt  }
0x40: {  	_ =	shalt  }
0x41: {  	_ =	shalt  }
0x42: {  	_ =	shalt  }
0x43: {  	_ =	shalt  }
0x44: {  	_ =	shalt  }
0x45: {  	_ =	shalt  }
0x46: {  	_ =	shalt  }
0x47: {  	_ =	shalt  }
0x48: {  	_ =	shalt  }
0x49: {  	_ =	shalt  }
0x4a: {  	_ =	shalt  }
0x4b: {  	_ =	shalt  }
0x4c: {  	_ =	shalt  }
0x4d: {  	_ =	shalt  }
0x4e: {  	_ =	shalt  }
0x4f: {  	_ =	shalt  }
0x50: {  	_ =	shalt  }
0x51: {  	_ =	shalt  }
0x52: {  	_ =	shalt  }
0x53: {  	_ =	shalt  }
0x54: {  	_ =	shalt  }
0x55: {  	_ =	shalt  }
0x56: {  	_ =	shalt  }
0x57: {  	_ =	shalt  }
0x58: {  	_ =	shalt  }
0x59: {  	_ =	shalt  }
0x5a: {  	_ =	shalt  }
0x5b: {  	_ =	shalt  }
0x5c: {  	_ =	shalt  }
0x5d: {  	_ =	shalt  }
0x5e: {  	_ =	shalt  }
0x5f: {  	_ =	shalt  }
0x60: {  	_ =	shalt  }
0x61: {  	_ =	shalt  }
0x62: {  	_ =	shalt  }
0x63: {  	_ =	shalt  }
0x64: {  	_ =	shalt  }
0x65: {  	_ =	shalt  }
0x66: {  	_ =	shalt  }
0x67: {  	_ =	shalt  }
0x68: {  	_ =	shalt  }
0x69: {  	_ =	shalt  }
0x6a: {  	_ =	shalt  }
0x6b: {  	_ =	shalt  }
0x6c: {  	_ =	shalt  }
0x6d: {  	_ =	shalt  }
0x6e: {  	_ =	shalt  }
0x6f: {  	_ =	shalt  }
0x70: {  	_ =	shalt  }
0x71: {  	_ =	shalt  }
0x72: {  	_ =	shalt  }
0x73: {  	_ =	shalt  }
0x74: {  	_ =	shalt  }
0x75: {  	_ =	shalt  }
0x76: {  	_ =	shalt  }
0x77: {  	_ =	shalt  }
0x78: {  	_ =	shalt  }
0x79: {  	_ =	shalt  }
0x7a: {  	_ =	shalt  }
0x7b: {  	_ =	shalt  }
0x7c: {  	_ =	shalt  }
0x7d: {  	_ =	shalt  }
0x7e: {  	_ =	shalt  }
0x7f: {  	_ =	shalt  }
0x80: {  	_ =	shalt  }
0x81: {  	_ =	shalt  }
0x82: {  	_ =	shalt  }
0x83: {  	_ =	shalt  }
0x84: {  	_ =	shalt  }
0x85: {  	_ =	shalt  }
0x86: {  	_ =	shalt  }
0x87: {  	_ =	shalt  }
.Lfunc_end0:
.L_simem_size_0:
called_computation_lowered:
.L_overlay_start_0:
0x88: {  	s2 =	sld [smem:$0x3FD9]  }
0x89: {  	s3 =	sld [smem:$0x3FFE];
	_ =	sdelay $0x1  }
0x8a: {  	s1 =	srdreg.scid  }
0x8b: {  	s0 =	sand.u32 $0x1, s1  }
0x8c: {  	s17 =	sshll.u32 s0, $0xA;
	s2 =	sadd.s32 s3, s2  }
0x8d: {  	s2 =	sadd.s32 s2, s17  }
0x8e: {  	[smem:$0x3FC0] =	sst s2  }
0x8f: {  	_ = 	snop  }
0x90: {  	s2 =	sld [smem:$0x3FD0];
	(tm) =	ssettm $0x1  }
0x91: {  	s18 =	sld [smem:$0x3FFB];
	_ =	sdelay $0x3  }
0x92: {  	_ =	strace s18  }
0x93: {  	s3 =	sld [smem:$0x3FFC];
	_ =	sdelay $0x3  }
0x94: {  	_ =	strace s3  }
0x95: {  	s3 =	sld [smem:$0x3FFD];
	_ =	sdelay $0x3  }
0x96: {  	_ =	strace s3  }
0x97: {  	_ =	strace $0x8FFFFFFF  }
0x98: {  	s19 =	sld [smem:$0x3FDB];
	_ =	sdelay $0x1  }
0x99: {  	s4 =	simm.s32 $_scs_section_size  }
0x9a: {  	s5 =	simm.s32 $_size__tile_overlayer_lowered;
	s6 =	simm.s32 $_tile_overlayer_lowered  }
0x9b: {  	s22 =	simm.s32 $0x1BFF;
	s21 =	sshll.u32 s6, $0x1;
	s3 =	sadd.s32 s4, s19  }
0x9c: {  	s7 =	simm.s32 $0x0;
	s20 =	sshll.u32 s5, $0x1;
	s5 =	sadd.s32 s21, s3  }
0x9d: {  	[timem:s7], [sflag:s22] =	dma.local [hbm:s5], s20  }
0x9e: {  	_ =	swait.ge [sflag:s22], s20  }
0x9f: {  	s4 =	ssub.s32 $0x0, s20;
	[sflag:s22] =	ssyncset.done $0x0  }
0xa0: {  	[sflag:s22] =	ssyncadd.s32 s4;
	_ =	sdelay $0x1  }
0xa1: {  	s23 =	simm.s32 $0x1B8B  }
0xa2: {  	_ =	swait.ge [sflag:s23], $0x1  }
0xa3: {  	[sflag:s23] =	ssyncset.done $0x0  }
0xa4: {  	s25 =	simm.s32 $0x1B8E;
	s24 =	sld [smem:$0x3FFE];
	[sflag:s23] =	ssyncadd.s32 $0xFFFFFFFF  }
0xa5: {  	s26 =	simm.s32 $execute0_lowered;
	[smem:$0x3FD2] =	sst s25  }
0xa6: {  	s5 =	sshll.u32 s26, $0x1;
	_ =	strace $0x80000046;
	[dreg:$0x1] =	wrdreg $0xFFFFFFFF  }
0xa7: {  	s28 =	simm.s32 $_size_execute0_lowered;
	s3 =	sadd.s32 s3, s5;
	[dreg:$0x0] =	wrdreg $0x0  }
0xa8: {  	s5 =	sshll.u32 s28, $0x1;
	[dreg:$0x2] =	wrdreg s3  }
0xa9: {  	[dreg:$0x3] =	wrdreg s5  }
0xaa: {  	[dreg:$0x4] =	wrdreg $0xC0  }
0xab: {  	_ =	task [dreg:s7], $0x5FFFF  }
0xac: {  	[dreg:$0x1] =	wrdreg $0xFFFFFFFF  }
0xad: {  	[dreg:$0x0] =	wrdreg $0x60  }
0xae: {  	[dreg:$0x2] =	wrdreg s2  }
0xaf: {  	[dreg:$0x3] =	wrdreg s24  }
0xb0: {  	[dreg:$0x4] =	wrdreg $0x9  }
0xb1: {  	_ =	task.clear_ibuf [dreg:s7], $0x5FFFF;
	_ =	strace $0x90000046  }
0xb2: {  	s29 =	simm.s32 $0x9;
	_ =	strace $0x80000048  }
0xb3: {  	_ =	swait.ge [sflag:s29], $0x1  }
0xb4: {  	[sflag:s29] =	ssyncadd.s32 $0xFFFFFFFF  }
0xb5: {  	_ =	strace $0x90000048  }
0xb6: {  	_ =	sfence  }
0xb7: {  	s30 =	sld [smem:$0x0];
	_ =	sdelay $0x2  }
0xb8: {  	s31 =	sshll.u32 s1, $0xD;
	s1 =	sshrl.u32 s1, $0x2  }
0xb9: {  	s3 =	sand.u32 $0x4000, s31;
	s1 =	sadd.s32 s1, s30  }
0xba: {  	s0 =	sor.u32 s3, s0;
	s1 =	sshll.u32 s1, $0x11  }
0xbb: {  	s0 =	sor.u32 s1, s0  }
0xbc: {  	s0 =	sadd.s32 $0x8F2B, s0  }
0xbd: {  	[sflag:s0] =	ssyncadd.remote.s32 $0x1  }
0xbe: {  	_ =	sfence.sel $0xFFFF  }
0xbf: {  	[dreg:$0x0] =	wrdreg $0xFFFFFFFF;
	(pc) =	sbr.abs _section_cstart, $3  }
0xc0: {  	[dreg:$0x1] =	wrdreg $0xFFFFFFFF  }
0xc1: {  	_ =	task.clear_ibuf [dreg:s7], $0x2FFFF;
	_ =	strace $0x9FFFFFFF  }
0xc2: {  	(tm) =	ssettm $0x7FFFFFFF  }
0xc3: {  	_ =	shalt  }
tec
execute0_lowered:
.L_overlay_start_1:
0x0: {  	(tag) =	ssettag $0x1  }
0x1: {  	s1 =	rddreg [dreg:$0x0]  }
0x2: {  	s4 =	rddreg [dreg:$0x1]  }
0x3: {  	s2 =	srdreg.scid;
	s0 =	rddreg [dreg:$0x2]  }
0x4: {  	s3 =	simm.s32 $0x0;
	s10 =	simm.s32 $0x80;
	s11 =	simm.s32 $0x2C00  }
0x5: {  	s12 =	simm.s32 $0x100;
	s13 =	simm.s32 $0x5400;
	s14 =	simm.s32 $0x180  }
0x6: {  	s15 =	simm.s32 $0x7C00;
	s16 =	simm.s32 $0x200;
	s5 =	sand.u32 $0x1, s2  }
0x7: {  	s17 =	simm.s32 $0xA400;
	s2 =	stileid.u32;
	s6 =	smul.u32 $0x64000, s5  }
0x8: {  	s18 =	simm.s32 $0x1;
	s19 =	simm.s32 $0x0;
	s7 =	smul.u32 $0x6400, s2  }
0x9: {  	[smem:$0x7FF] =	sst s3;
	s8 =	smul.u32 $0x271000, s5;
	s5 =	ssub.s32 $0x2, s5  }
0xa: {  	_ =	strace $0x80000047;
	s9 =	smul.u32 $0x27100, s2;
	s30 =	sshrl.u32 s5, $0x1  }
0xb: {  	s6 =	sadd.s32 s7, s6;
	s8 =	sadd.s32 s8, s4;
	s5 =	ssub.s32 s5, s30  }
0xc: {  	s7 =	simm.s32 $0x2;
	s6 =	sshrl.u32 s6, $0x3;
	s31 =	sadd.s32 s9, s8  }
0xd: {  	s8 =	simm.s32 $0x50;
	s9 =	simm.s32 $0x400;
	s6 =	sadd.s32 s6, s4  }
0xe: {  	s4 =	smax.u32 s5, $0x1;
	s5 =	sadd.s32 $0x1200, s6;
	s6 =	sadd.s32 $0x1A200, s31  }
.LBB2_1:
0xf: {  	s20 =	sadd.s32 $0x0, s5  }
0x10: {  	[tilespmem:s3], [sflag:$0x2] =	stream.linear.gather [hbm4b:s20+s3], $0x280, $0x38;
	[tilespmem:$0xCC00] =	vst v63  }
0x11: {  	_ =	swait.ge [sflag:s7], $0x280  }
0x12: {  	[sflag:s7] =	ssyncset.done $0x0  }
0x13: {  	[sflag:s7] =	ssyncadd.s32 $0xFFFFFD80  }
0x14: {  	[tilespmem:s9], [sflag:$0x1] =	stream.indirect.gather [hbm4b:s1+s8], $0x80, s3, s8, $0xb8;
	[tilespmem:$0xCC00] =	vst v63  }
0x15: {  	_ = 	snop  }
0x16: {  	[tilespmem:s11], [sflag:$0x1] =	stream.indirect.gather [hbm4b:s1+s8], $0x80, s10, s8, $0xb8;
	[tilespmem:$0xCC00] =	vst v63  }
0x17: {  	_ = 	snop  }
0x18: {  	[tilespmem:s13], [sflag:$0x1] =	stream.indirect.gather [hbm4b:s1+s8], $0x80, s12, s8, $0xb8;
	[tilespmem:$0xCC00] =	vst v63  }
0x19: {  	_ = 	snop  }
0x1a: {  	[tilespmem:s15], [sflag:$0x1] =	stream.indirect.gather [hbm4b:s1+s8], $0x80, s14, s8, $0xb8;
	[tilespmem:$0xCC00] =	vst v63  }
0x1b: {  	_ = 	snop  }
0x1c: {  	[tilespmem:s17], [sflag:$0x1] =	stream.indirect.gather [hbm4b:s1+s8], $0x80, s16, s8, $0xb8;
	[tilespmem:$0xCC00] =	vst v63  }
0x1d: {  	_ =	swait.ge [sflag:s18], $0x2800  }
0x1e: {  	[sflag:s18] =	ssyncset.done $0x0  }
0x1f: {  	[sflag:s18] =	ssyncadd.s32 $0xFFFFD800  }
0x20: {  	_ =	swait.ge [sflag:s18], $0x2800  }
0x21: {  	[sflag:s18] =	ssyncset.done $0x0  }
0x22: {  	[sflag:s18] =	ssyncadd.s32 $0xFFFFD800  }
0x23: {  	_ =	swait.ge [sflag:s18], $0x2800  }
0x24: {  	[sflag:s18] =	ssyncset.done $0x0  }
0x25: {  	[sflag:s18] =	ssyncadd.s32 $0xFFFFD800  }
0x26: {  	_ =	swait.ge [sflag:s18], $0x2800  }
0x27: {  	[sflag:s18] =	ssyncset.done $0x0  }
0x28: {  	[sflag:s18] =	ssyncadd.s32 $0xFFFFD800  }
0x29: {  	_ =	swait.ge [sflag:s18], $0x2800  }
0x2a: {  	[sflag:s18] =	ssyncset.done $0x0  }
0x2b: {  	[sflag:s18] =	ssyncadd.s32 $0xFFFFD800  }
0x2c: {  	[hbm4b:s6+s3] =	stream.linear.scatter [tilespmem:s9], [sflag:$0x2], $0xC800, $0x38;
	[tilespmem:$0xCC00] =	vst v63  }
0x2d: {  	s21 =	simm.s32 $0x80;
	_ =	swait.ge [sflag:s7], $0xC800  }
0x2e: {  	s22 =	simm.s32 $0x100;
	s20 =	sadd.s32 $0x1900, s6;
	[sflag:s7] =	ssyncset.done $0x0  }
.LBB2_2:
0x2f: {  	s23 =	sadd.s32 s21, s5  }
0x30: {  	[sflag:s7] =	ssyncadd.s32 $0xFFFF3800;
	s21 =	smov.u32 s22;
	s24 =	sadd.s32 $0x80, s22  }
0x31: {  	[tilespmem:s3], [sflag:$0x2] =	stream.linear.gather [hbm4b:s23+s3], $0x280, $0x38;
	[tilespmem:$0xCC00] =	vst v63  }
0x32: {  	p0 =	sne.s32 s22, $0xC00;
	_ =	swait.ge [sflag:s7], $0x280  }
0x33: {  	[sflag:s7] =	ssyncset.done $0x0  }
0x34: {  	[sflag:s7] =	ssyncadd.s32 $0xFFFFFD80  }
0x35: {  	[tilespmem:s9], [sflag:$0x1] =	stream.indirect.gather [hbm4b:s1+s8], $0x80, s3, s8, $0xb8;
	[tilespmem:$0xCC00] =	vst v63  }
0x36: {  	_ = 	snop  }
0x37: {  	[tilespmem:s11], [sflag:$0x1] =	stream.indirect.gather [hbm4b:s1+s8], $0x80, s10, s8, $0xb8;
	[tilespmem:$0xCC00] =	vst v63  }
0x38: {  	_ = 	snop  }
0x39: {  	[tilespmem:s13], [sflag:$0x1] =	stream.indirect.gather [hbm4b:s1+s8], $0x80, s12, s8, $0xb8;
	[tilespmem:$0xCC00] =	vst v63  }
0x3a: {  	_ = 	snop  }
0x3b: {  	[tilespmem:s15], [sflag:$0x1] =	stream.indirect.gather [hbm4b:s1+s8], $0x80, s14, s8, $0xb8;
	[tilespmem:$0xCC00] =	vst v63  }
0x3c: {  	_ = 	snop  }
0x3d: {  	[tilespmem:s17], [sflag:$0x1] =	stream.indirect.gather [hbm4b:s1+s8], $0x80, s16, s8, $0xb8;
	[tilespmem:$0xCC00] =	vst v63  }
0x3e: {  	_ =	swait.ge [sflag:s18], $0x2800  }
0x3f: {  	[sflag:s18] =	ssyncset.done $0x0  }
0x40: {  	[sflag:s18] =	ssyncadd.s32 $0xFFFFD800  }
0x41: {  	_ =	swait.ge [sflag:s18], $0x2800  }
0x42: {  	[sflag:s18] =	ssyncset.done $0x0  }
0x43: {  	[sflag:s18] =	ssyncadd.s32 $0xFFFFD800  }
0x44: {  	_ =	swait.ge [sflag:s18], $0x2800  }
0x45: {  	[sflag:s18] =	ssyncset.done $0x0  }
0x46: {  	[sflag:s18] =	ssyncadd.s32 $0xFFFFD800  }
0x47: {  	_ =	swait.ge [sflag:s18], $0x2800  }
0x48: {  	[sflag:s18] =	ssyncset.done $0x0  }
0x49: {  	[sflag:s18] =	ssyncadd.s32 $0xFFFFD800  }
0x4a: {  	_ =	swait.ge [sflag:s18], $0x2800  }
.Ltmp0:
0x4b: {  	[sflag:s18] =	ssyncset.done $0x0;
	(pc) =	sbr.rel @p0 .LBB2_2-.Ltmp0, $4  }
0x4c: {  	[sflag:s18] =	ssyncadd.s32 $0xFFFFD800  }
0x4d: {  	[hbm4b:s20+s3] =	stream.linear.scatter [tilespmem:s9], [sflag:$0x2], $0xC800, $0x38;
	[tilespmem:$0xCC00] =	vst v63  }
0x4e: {  	_ =	swait.ge [sflag:s7], $0xC800  }
0x4f: {  	s22 =	smov.u32 s24;
	s20 =	sadd.s32 $0x1900, s20;
	[sflag:s7] =	ssyncset.done $0x0  }
0x50: {  	s21 =	sadd.s32 s21, s5;
	[sflag:s7] =	ssyncadd.s32 $0xFFFF3800  }
0x51: {  	[tilespmem:s3], [sflag:$0x2] =	stream.linear.gather [hbm4b:s21+s3], $0x280, $0x38;
	[tilespmem:$0xCC00] =	vst v63  }
0x52: {  	_ =	swait.ge [sflag:s7], $0x280  }
0x53: {  	[sflag:s7] =	ssyncset.done $0x0  }
0x54: {  	[sflag:s7] =	ssyncadd.s32 $0xFFFFFD80  }
0x55: {  	[tilespmem:s9], [sflag:$0x1] =	stream.indirect.gather [hbm4b:s1+s8], $0x80, s3, s8, $0xb8;
	[tilespmem:$0xCC00] =	vst v63  }
0x56: {  	_ = 	snop  }
0x57: {  	[tilespmem:s11], [sflag:$0x1] =	stream.indirect.gather [hbm4b:s1+s8], $0x80, s10, s8, $0xb8;
	[tilespmem:$0xCC00] =	vst v63  }
0x58: {  	_ = 	snop  }
0x59: {  	[tilespmem:s13], [sflag:$0x1] =	stream.indirect.gather [hbm4b:s1+s8], $0x80, s12, s8, $0xb8;
	[tilespmem:$0xCC00] =	vst v63  }
0x5a: {  	_ = 	snop  }
0x5b: {  	[tilespmem:s15], [sflag:$0x1] =	stream.indirect.gather [hbm4b:s1+s8], $0x80, s14, s8, $0xb8;
	[tilespmem:$0xCC00] =	vst v63  }
0x5c: {  	_ = 	snop  }
0x5d: {  	[tilespmem:s17], [sflag:$0x1] =	stream.indirect.gather [hbm4b:s1+s8], $0x80, s16, s8, $0xb8;
	[tilespmem:$0xCC00] =	vst v63  }
0x5e: {  	_ =	swait.ge [sflag:s18], $0x2800  }
0x5f: {  	[sflag:s18] =	ssyncset.done $0x0  }
0x60: {  	[sflag:s18] =	ssyncadd.s32 $0xFFFFD800  }
0x61: {  	_ =	swait.ge [sflag:s18], $0x2800  }
0x62: {  	[sflag:s18] =	ssyncset.done $0x0  }
0x63: {  	[sflag:s18] =	ssyncadd.s32 $0xFFFFD800  }
0x64: {  	_ =	swait.ge [sflag:s18], $0x2800  }
0x65: {  	[sflag:s18] =	ssyncset.done $0x0  }
0x66: {  	[sflag:s18] =	ssyncadd.s32 $0xFFFFD800  }
0x67: {  	_ =	swait.ge [sflag:s18], $0x2800  }
0x68: {  	[sflag:s18] =	ssyncset.done $0x0  }
0x69: {  	[sflag:s18] =	ssyncadd.s32 $0xFFFFD800  }
0x6a: {  	s19 =	sadd.s32 $0x1, s19;
	_ =	swait.ge [sflag:s18], $0x2800  }
0x6b: {  	p0 =	sne.s32 s19, s4;
	[sflag:s18] =	ssyncset.done $0x0  }
.Ltmp1:
0x6c: {  	[sflag:s18] =	ssyncadd.s32 $0xFFFFD800;
	(pc) =	sbr.rel @p0 .LBB2_1-.Ltmp1, $4  }
0x6d: {  	[hbm4b:s20+s3] =	stream.linear.scatter [tilespmem:s9], [sflag:$0x2], $0xC800, $0x38;
	[tilespmem:$0xCC00] =	vst v63  }
0x6e: {  	_ =	swait.ge [sflag:s7], $0xC800  }
0x6f: {  	[sflag:s7] =	ssyncset.done $0x0  }
0x70: {  	[sflag:s7] =	ssyncadd.s32 $0xFFFF3800  }
0x71: {  	_ =	sfence.sel $0x180000  }
0x72: {  	[bflag:$0x0] =	sbarrier.arrive $0xFFFF  }
0x73: {  	p0 =	sne.s32 s2, $0x0;
	_ =	strace $0x90000047  }
0x74: {  	s0 =	sadd.s32 @!p0 $0x100000, s0;
	[bflag:$0x2] =	sbarrier.arrive $0xFFFF  }
0x75: {  	[sflag:s0] =	ssyncadd.tile.s32 @!p0 $0x1;
	_ =	shalt  }
.Lfunc_end2:
_tile_overlayer_lowered:
.L_overlay_start_2:
0x76: {  	(tag) =	ssettag $0x2  }
0x77: {  	s0 =	rddreg [dreg:$0x0];
	s2 =	stileid.u32  }
0x78: {  	s1 =	rddreg [dreg:$0x1];
	p0 =	sne.s32 s2, $0x0  }
0x79: {  	s3 =	rddreg [dreg:$0x2];
	[bflag:$0x3] =	sbarrier.arrive $0xFFFF;
	s2 =	simm.s32 @!p0 $0x1C02  }
0x7a: {  	[timem:s3], [sflag:s2] =	dma.local @!p0 [hbm:s0], s1  }
0x7b: {  	s0 =	simm.s32 @!p0 $0x2  }
0x7c: {  	_ =	swait.ge @!p0 [sflag:s0], s1  }
0x7d: {  	s1 =	ssub.s32 @!p0 $0x0, s1;
	[sflag:s0] =	ssyncset.done @!p0 $0x0  }
0x7e: {  	[sflag:s0] =	ssyncadd.s32 @!p0 s1  }
0x7f: {  	[bflag:$0x3] =	sbarrier.arrive $0xFFFF  }
0x80: {  	_ =	shalt  }

</sc_bundles>
